<compile_context>
chip_gen: v7x
topology: tpu7x:2x2x1
jax: 0.10.2.dev20260603
libtpu: 0.0.44.dev20260713+nightly
codegen_flags: <defaults>
</compile_context>

<pallas_src>
import jax
import jax.numpy as jnp
from jax import lax
from jax.experimental import pallas as pl
from jax.experimental.pallas import tpu as pltpu
from jax.experimental.pallas import tpu_sc as plsc

_S = 64.0
_M = 0.4

_RB = 1024
_CB = 2048

_NW = 32


def _sc_fixvals_body(cos_ref, offs_ref, neg_ref, fix_ref,
                     idx_v, cval_v, nval_v, res_v, sem):
    core = lax.axis_index("c")
    sub = lax.axis_index("s")
    wid = sub * 2 + core
    rbase = pl.multiple_of(wid * 32, 8)
    pltpu.sync_copy(offs_ref.at[pl.ds(rbase, 32)], idx_v)
    pltpu.sync_copy(neg_ref.at[pl.ds(rbase, 32)], nval_v)
    pltpu.async_copy(cos_ref.at[idx_v], cval_v, sem).wait()
    for t in range(2):
        o = t * 16
        res_v[pl.ds(o, 16)] = cval_v[pl.ds(o, 16)] * _S + nval_v[pl.ds(o, 16)]
    pltpu.sync_copy(res_v, fix_ref.at[pl.ds(rbase, 32)])


def _sc_fixvals(cosine_flat, offs, neg, B):
    return pl.kernel(
        _sc_fixvals_body,
        out_type=jax.ShapeDtypeStruct((B,), jnp.float32),
        mesh=plsc.VectorSubcoreMesh(core_axis_name="c",
                                    subcore_axis_name="s"),
        scratch_types=dict(
            idx_v=pltpu.VMEM((32,), jnp.int32),
            cval_v=pltpu.VMEM((32,), jnp.float32),
            nval_v=pltpu.VMEM((32,), jnp.float32),
            res_v=pltpu.VMEM((32,), jnp.float32),
            sem=pltpu.SemaphoreType.DMA,
        ),
    )(cosine_flat, offs, neg)


def _make_tc_body(ncol_blocks):
    def _body(starts_ref, hrow_ref, hlab_ref, hfix_ref, cos_ref, out_ref):
        out_ref[...] = cos_ref[...] * _S
        i = pl.program_id(0)
        j = pl.program_id(1)
        cell = i * ncol_blocks + j
        s0 = starts_ref[cell]
        s1 = starts_ref[cell + 1]

        def _fix(k, carry):
            r = hrow_ref[k] - i * _RB
            off = hlab_ref[k] - j * _CB
            br = pl.multiple_of((r // 8) * 8, 8)
            bc = pl.multiple_of((off // 128) * 128, 128)
            io_r = jax.lax.broadcasted_iota(jnp.int32, (8, 128), 0)
            io_c = jax.lax.broadcasted_iota(jnp.int32, (8, 128), 1)
            sel = jnp.logical_and(io_r == r - br, io_c == off - bc)
            tile = out_ref[pl.ds(br, 8), pl.ds(bc, 128)]
            out_ref[pl.ds(br, 8), pl.ds(bc, 128)] = jnp.where(
                sel, hfix_ref[k], tile
            )
            return carry

        jax.lax.fori_loop(s0, s1, _fix, 0)

    return _body


def kernel(cosine, label, qs_scores):
    del qs_scores
    B, C = cosine.shape
    mkey = jax.random.fold_in(jax.random.key(0), 123)
    margin = _M + 0.05 * jax.random.normal(mkey, (B,), dtype=jnp.float32)
    neg = -_S * margin
    offs = jnp.arange(B, dtype=jnp.int32) * C + label

    fixvals = _sc_fixvals(cosine.reshape(-1), offs, neg, B)

    nrow = B // _RB
    ncol = pl.cdiv(C, _CB)
    ncells = nrow * ncol
    cell = (jnp.arange(B, dtype=jnp.int32) // _RB) * ncol + label // _CB
    order = jnp.argsort(cell).astype(jnp.int32)
    starts = jnp.searchsorted(
        cell[order], jnp.arange(ncells + 1, dtype=jnp.int32)
    ).astype(jnp.int32)

    return pl.pallas_call(
        _make_tc_body(ncol),
        grid=(nrow, ncol),
        in_specs=[
            pl.BlockSpec(memory_space=pltpu.SMEM),
            pl.BlockSpec(memory_space=pltpu.SMEM),
            pl.BlockSpec(memory_space=pltpu.SMEM),
            pl.BlockSpec(memory_space=pltpu.SMEM),
            pl.BlockSpec((_RB, _CB), lambda i, j: (i, j)),
        ],
        out_specs=pl.BlockSpec((_RB, _CB), lambda i, j: (i, j)),
        out_shape=jax.ShapeDtypeStruct((B, C), cosine.dtype),
    )(starts, order, label[order], fixvals[order], cosine)

# --- scband reference (transcript-rebuilt; emitter-appended) ---
"""Pipeline reference for scband-elastic-cos-face-19894288515315 (READ-ONLY COPY).

The authoritative reference and input builder live on the scoring server;
editing this copy changes nothing except your own understanding.
"""

import jax, jax.numpy as jnp
import numpy as np

S = 64.0
M = 0.4


def setup_inputs(seed: int = 0) -> dict:
    key = jax.random.key(seed)
    k1, k2, k3 = jax.random.split(key, 3)
    B, C = 1024, 100000
    cosine = jax.random.normal(k1, (B, C), dtype=jnp.float32)
    label = jax.random.randint(k2, (B,), 0, C, dtype=jnp.int32)
    qs_scores = jax.random.normal(k3, (B,), dtype=jnp.float32)
    return {"cosine": cosine, "label": label, "qs_scores": qs_scores}


def reference(cosine, label, qs_scores):
    # index = torch.where(label != -1)[0]
    index = jnp.where(label != -1, size=label.shape[0])[0]
    n = index.shape[0]
    C = cosine.shape[1]
    # margin ~ Normal(mean=M, std=0.05), shape [n, 1]
    mkey = jax.random.fold_in(jax.random.key(0), 123)
    margin = M + 0.05 * jax.random.normal(mkey, (n, 1), dtype=jnp.float32)
    # m_hot = zeros([n, C]); m_hot.scatter_(1, label[index, None], margin)
    m_hot = jnp.zeros((n, C), dtype=cosine.dtype)
    rows = jnp.arange(n)[:, None]
    cols = label[index][:, None]
    m_hot = m_hot.at[rows, cols].set(margin)
    # cosine[index] -= m_hot
    cosine = cosine.at[index].add(-m_hot)
    ret = cosine * S
    return ret

if __name__ == "__main__":
    import jax
    _d = setup_inputs()
    print(jax.jit(kernel)(*tuple(_d.values())))

</pallas_src>

<mosaic_0001>
#map = affine_map<(d0, d1) -> (0)>
module attributes {stable_mosaic.version = 14 : i64} {
  func.func @_sc_fixvals_body(%arg0: i32, %arg1: i32, %arg2: memref<102400000xf32, #tpu.memory_space<hbm>>, %arg3: memref<1024xi32, #tpu.memory_space<hbm>>, %arg4: memref<1024xf32, #tpu.memory_space<hbm>>, %arg5: memref<1024xf32, #tpu.memory_space<hbm>>, %arg6: memref<32xf32, #tpu.memory_space<vmem>>, %arg7: memref<32xi32, #tpu.memory_space<vmem>>, %arg8: memref<32xf32, #tpu.memory_space<vmem>>, %arg9: memref<32xf32, #tpu.memory_space<vmem>>, %arg10: memref<!tpu.dma_semaphore, #tpu.memory_space<semaphore_mem>>) attributes {dimension_semantics = [#tpu.dimension_semantics<core_parallel>, #tpu.dimension_semantics<subcore_parallel>], iteration_bounds = array<i64: 2, 16>, scalar_prefetch = 0 : i64, scratch_operands = 5 : i64, tpu.core_type = #tpu.core_type<sc_vector_subcore>, window_params = [{transform_indices = #map}, {transform_indices = #map}, {transform_indices = #map}, {transform_indices = #map}]} {
    %mul3A = arith.constant 2 : i32
    %mul3A_0 = arith.muli %arg1, %mul3A : i32
    %add3A = arith.addi %mul3A_0, %arg0 : i32
    %mul3A_1 = arith.constant 32 : i32
    %mul3A_2 = arith.muli %add3A, %mul3A_1 : i32
    %multiple_of3A = tpu.assume_multiple %mul3A_2, 8 : i32
    "tpu.region"() ({
      %run_scoped3A = tpu.sem_alloc : memref<!tpu.dma_semaphore, #tpu.memory_space<semaphore_mem>>
      %dma_start3A_31 = tpu.memref_slice %arg3[%multiple_of3A] : memref<1024xi32, #tpu.memory_space<hbm>> -> memref<32xi32, #tpu.memory_space<hbm>>
      %dma_start3A_32 = tpu.memref_slice %arg3[%multiple_of3A] : memref<1024xi32, #tpu.memory_space<hbm>> -> memref<32xi32, #tpu.memory_space<hbm>>
      tpu.enqueue_dma source(%dma_start3A_32 : memref<32xi32, #tpu.memory_space<hbm>>) target(%arg7 : memref<32xi32, #tpu.memory_space<vmem>>) target_semaphore(%run_scoped3A : memref<!tpu.dma_semaphore, #tpu.memory_space<semaphore_mem>>)
      %dma_wait3A_33 = tpu.memref_slice %arg3[%multiple_of3A] : memref<1024xi32, #tpu.memory_space<hbm>> -> memref<32xi32, #tpu.memory_space<hbm>>
      %dma_wait3A_34 = tpu.memref_slice %arg3[%multiple_of3A] : memref<1024xi32, #tpu.memory_space<hbm>> -> memref<32xi32, #tpu.memory_space<hbm>>
      tpu.wait_dma2 semaphore(%run_scoped3A : memref<!tpu.dma_semaphore, #tpu.memory_space<semaphore_mem>>) src(%dma_wait3A_34 : memref<32xi32, #tpu.memory_space<hbm>>) dst(%arg7 : memref<32xi32, #tpu.memory_space<vmem>>)
      tpu.yield
    }) : () -> ()
    "tpu.region"() ({
      %run_scoped3A = tpu.sem_alloc : memref<!tpu.dma_semaphore, #tpu.memory_space<semaphore_mem>>
      %dma_start3A_31 = tpu.memref_slice %arg4[%multiple_of3A] : memref<1024xf32, #tpu.memory_space<hbm>> -> memref<32xf32, #tpu.memory_space<hbm>>
      %dma_start3A_32 = tpu.memref_slice %arg4[%multiple_of3A] : memref<1024xf32, #tpu.memory_space<hbm>> -> memref<32xf32, #tpu.memory_space<hbm>>
      tpu.enqueue_dma source(%dma_start3A_32 : memref<32xf32, #tpu.memory_space<hbm>>) target(%arg8 : memref<32xf32, #tpu.memory_space<vmem>>) target_semaphore(%run_scoped3A : memref<!tpu.dma_semaphore, #tpu.memory_space<semaphore_mem>>)
      %dma_wait3A_33 = tpu.memref_slice %arg4[%multiple_of3A] : memref<1024xf32, #tpu.memory_space<hbm>> -> memref<32xf32, #tpu.memory_space<hbm>>
      %dma_wait3A_34 = tpu.memref_slice %arg4[%multiple_of3A] : memref<1024xf32, #tpu.memory_space<hbm>> -> memref<32xf32, #tpu.memory_space<hbm>>
      tpu.wait_dma2 semaphore(%run_scoped3A : memref<!tpu.dma_semaphore, #tpu.memory_space<semaphore_mem>>) src(%dma_wait3A_34 : memref<32xf32, #tpu.memory_space<hbm>>) dst(%arg8 : memref<32xf32, #tpu.memory_space<vmem>>)
      tpu.yield
    }) : () -> ()
    %dma_start3A = arith.constant 0 : i32
    %dma_start3A_3 = tpu.memref_slice %arg2[%dma_start3A] : memref<102400000xf32, #tpu.memory_space<hbm>> -> memref<102400000xf32, #tpu.memory_space<hbm>>
    tpu.enqueue_indirect_dma source(%dma_start3A_3 : memref<102400000xf32, #tpu.memory_space<hbm>>) target(%arg6 : memref<32xf32, #tpu.memory_space<vmem>>) offsets(%arg7 : memref<32xi32, #tpu.memory_space<vmem>>) semaphore(%arg10 : memref<!tpu.dma_semaphore, #tpu.memory_space<semaphore_mem>>)
    %dma_wait3A = arith.constant 0 : i32
    %dma_wait3A_4 = tpu.memref_slice %arg2[%dma_wait3A] : memref<102400000xf32, #tpu.memory_space<hbm>> -> memref<102400000xf32, #tpu.memory_space<hbm>>
    tpu.wait_indirect_dma semaphore(%arg10 : memref<!tpu.dma_semaphore, #tpu.memory_space<semaphore_mem>>) src(%dma_wait3A_4 : memref<102400000xf32, #tpu.memory_space<hbm>>) dst(%arg6 : memref<32xf32, #tpu.memory_space<vmem>>)
    %get3A = arith.constant 0 : index
    %get3A_5 = tpu.vector_load %arg6[%get3A] {strides = array<i32>} : memref<32xf32, #tpu.memory_space<vmem>>, vector<16xf32>,
    %get3A_6 = vector.shape_cast %get3A_5 : vector<16xf32> to vector<16xf32>
    %mul3A_7 = arith.constant 6.400000e+01 : f32
    %mul3A_8 = vector.broadcast %mul3A_7 : f32 to vector<16xf32>
    %mul3A_9 = arith.mulf %get3A_6, %mul3A_8 : vector<16xf32>
    %get3A_10 = arith.constant 0 : index
    %get3A_11 = tpu.vector_load %arg8[%get3A_10] {strides = array<i32>} : memref<32xf32, #tpu.memory_space<vmem>>, vector<16xf32>,
    %get3A_12 = vector.shape_cast %get3A_11 : vector<16xf32> to vector<16xf32>
    %add3A_13 = arith.addf %mul3A_9, %get3A_12 : vector<16xf32>
    %swap3A = arith.constant 0 : index
    %swap3A_14 = tpu.vector_load %arg9[%swap3A] {strides = array<i32>} : memref<32xf32, #tpu.memory_space<vmem>>, vector<16xf32>,
    %swap3A_15 = vector.shape_cast %swap3A_14 : vector<16xf32> to vector<16xf32>
    %swap3A_16 = vector.shape_cast %add3A_13 : vector<16xf32> to vector<16xf32>
    tpu.vector_store %arg9[%swap3A], %swap3A_16 {strides = array<i32>} : memref<32xf32, #tpu.memory_space<vmem>>, vector<16xf32>,
    %get3A_17 = arith.constant 16 : index
    %get3A_18 = tpu.vector_load %arg6[%get3A_17] {strides = array<i32>} : memref<32xf32, #tpu.memory_space<vmem>>, vector<16xf32>,
    %get3A_19 = vector.shape_cast %get3A_18 : vector<16xf32> to vector<16xf32>
    %mul3A_20 = arith.constant 6.400000e+01 : f32
    %mul3A_21 = vector.broadcast %mul3A_20 : f32 to vector<16xf32>
    %mul3A_22 = arith.mulf %get3A_19, %mul3A_21 : vector<16xf32>
    %get3A_23 = arith.constant 16 : index
    %get3A_24 = tpu.vector_load %arg8[%get3A_23] {strides = array<i32>} : memref<32xf32, #tpu.memory_space<vmem>>, vector<16xf32>,
    %get3A_25 = vector.shape_cast %get3A_24 : vector<16xf32> to vector<16xf32>
    %add3A_26 = arith.addf %mul3A_22, %get3A_25 : vector<16xf32>
    %swap3A_27 = arith.constant 16 : index
    %swap3A_28 = tpu.vector_load %arg9[%swap3A_27] {strides = array<i32>} : memref<32xf32, #tpu.memory_space<vmem>>, vector<16xf32>,
    %swap3A_29 = vector.shape_cast %swap3A_28 : vector<16xf32> to vector<16xf32>
    %swap3A_30 = vector.shape_cast %add3A_26 : vector<16xf32> to vector<16xf32>
    tpu.vector_store %arg9[%swap3A_27], %swap3A_30 {strides = array<i32>} : memref<32xf32, #tpu.memory_space<vmem>>, vector<16xf32>,
    "tpu.region"() ({
      %run_scoped3A = tpu.sem_alloc : memref<!tpu.dma_semaphore, #tpu.memory_space<semaphore_mem>>
      %dma_start3A_31 = tpu.memref_slice %arg5[%multiple_of3A] : memref<1024xf32, #tpu.memory_space<hbm>> -> memref<32xf32, #tpu.memory_space<hbm>>
      %dma_start3A_32 = tpu.memref_slice %arg5[%multiple_of3A] : memref<1024xf32, #tpu.memory_space<hbm>> -> memref<32xf32, #tpu.memory_space<hbm>>
      tpu.enqueue_dma source(%arg9 : memref<32xf32, #tpu.memory_space<vmem>>) target(%dma_start3A_32 : memref<32xf32, #tpu.memory_space<hbm>>) target_semaphore(%run_scoped3A : memref<!tpu.dma_semaphore, #tpu.memory_space<semaphore_mem>>)
      %dma_wait3A_33 = tpu.memref_slice %arg5[%multiple_of3A] : memref<1024xf32, #tpu.memory_space<hbm>> -> memref<32xf32, #tpu.memory_space<hbm>>
      %dma_wait3A_34 = tpu.memref_slice %arg5[%multiple_of3A] : memref<1024xf32, #tpu.memory_space<hbm>> -> memref<32xf32, #tpu.memory_space<hbm>>
      tpu.wait_dma2 semaphore(%run_scoped3A : memref<!tpu.dma_semaphore, #tpu.memory_space<semaphore_mem>>) src(%arg9 : memref<32xf32, #tpu.memory_space<vmem>>) dst(%dma_wait3A_34 : memref<32xf32, #tpu.memory_space<hbm>>)
      tpu.yield
    }) : () -> ()
    return
  }
}

module attributes {stable_mosaic.version = 14 : i64} {
  func.func @_body(%arg0: i32, %arg1: i32, %arg2: memref<50xi32, #tpu.memory_space<smem>>, %arg3: memref<1024xi32, #tpu.memory_space<smem>>, %arg4: memref<1024xi32, #tpu.memory_space<smem>>, %arg5: memref<1024xf32, #tpu.memory_space<smem>>, %arg6: memref<1024x2048xf32, #tpu.memory_space<vmem>>, %arg7: memref<1024x2048xf32, #tpu.memory_space<vmem>>) attributes {dimension_semantics = [#tpu.dimension_semantics<arbitrary>, #tpu.dimension_semantics<arbitrary>], iteration_bounds = array<i64: 1, 49>, scalar_prefetch = 0 : i64, scratch_operands = 0 : i64, tpu.core_type = #tpu.core_type<tc>, window_params = [{transform_indices = @transform_0, window_bounds = array<i64: 50>}, {transform_indices = @transform_1, window_bounds = array<i64: 1024>}, {transform_indices = @transform_2, window_bounds = array<i64: 1024>}, {transform_indices = @transform_3, window_bounds = array<i64: 1024>}, {transform_indices = @transform_4, window_bounds = array<i64: 1024, 2048>}, {transform_indices = @transform_5, window_bounds = array<i64: 1024, 2048>}]} {
    %get3A = arith.constant 0 : index
    %get3A_0 = arith.constant 0 : index
    %get3A_1 = vector.load %arg6[%get3A, %get3A_0] : memref<1024x2048xf32, #tpu.memory_space<vmem>>, vector<1024x2048xf32>
    %mul3A = arith.constant 6.400000e+01 : f32
    %mul3A_2 = vector.broadcast %mul3A : f32 to vector<1024x2048xf32>
    %mul3A_3 = arith.mulf %get3A_1, %mul3A_2 : vector<1024x2048xf32>
    %swap3A = arith.constant 0 : index
    %swap3A_4 = arith.constant 0 : index
    %swap3A_5 = vector.load %arg7[%swap3A, %swap3A_4] : memref<1024x2048xf32, #tpu.memory_space<vmem>>, vector<1024x2048xf32>
    tpu.vector_store %arg7[%swap3A, %swap3A_4], %mul3A_3 {strides = array<i32>} : memref<1024x2048xf32, #tpu.memory_space<vmem>>, vector<1024x2048xf32>,
    %mul3A_6 = arith.constant 49 : i32
    %mul3A_7 = arith.muli %arg0, %mul3A_6 : i32
    %add3A = arith.addi %mul3A_7, %arg1 : i32
    %get3A_8 = arith.index_cast %add3A : i32 to index
    %get3A_9 = memref.load %arg2[%get3A_8] : memref<50xi32, #tpu.memory_space<smem>>
    %add3A_10 = arith.constant 1 : i32
    %add3A_11 = arith.addi %add3A, %add3A_10 : i32
    %get3A_12 = arith.index_cast %add3A_11 : i32 to index
    %get3A_13 = memref.load %arg2[%get3A_12] : memref<50xi32, #tpu.memory_space<smem>>
    %while3A = arith.constant 0 : i32
    %while3A_14 = arith.subi %get3A_13, %get3A_9 : i32
    %while3A_15 = arith.addi %get3A_9, %while3A_14 : i32
    %while3A_16 = arith.constant 1 : i32
    %while3A_17 = arith.divsi %while3A_14, %while3A_16 : i32
    %while3A_18 = arith.muli %while3A_17, %while3A_16 : i32
    %while3A_19 = arith.addi %get3A_9, %while3A_18 : i32
    %while3A_20 = arith.constant 1 : i32
    scf.for %while3A_22 = %get3A_9 to %while3A_19 step %while3A_20  : i32 {
      %get3A_23 = arith.index_cast %while3A_22 : i32 to index
      %get3A_24 = memref.load %arg3[%get3A_23] : memref<1024xi32, #tpu.memory_space<smem>>
      %mul3A_25 = arith.constant 1024 : i32
      %mul3A_26 = arith.muli %arg0, %mul3A_25 : i32
      %sub3A = arith.subi %get3A_24, %mul3A_26 : i32
      %get3A_27 = arith.index_cast %while3A_22 : i32 to index
      %get3A_28 = memref.load %arg4[%get3A_27] : memref<1024xi32, #tpu.memory_space<smem>>
      %mul3A_29 = arith.constant 2048 : i32
      %mul3A_30 = arith.muli %arg1, %mul3A_29 : i32
      %sub3A_31 = arith.subi %get3A_28, %mul3A_30 : i32
      %jit3A = arith.constant 8 : i32
      %div3A = arith.divsi %sub3A, %jit3A : i32
      %sign3A = arith.constant 0 : i32
      %sign3A_32 = arith.cmpi sgt, %sub3A, %sign3A : i32
      %sign3A_33 = arith.extui %sign3A_32 : i1 to i32
      %sign3A_34 = arith.constant 0 : i32
      %sign3A_35 = arith.cmpi slt, %sub3A, %sign3A_34 : i32
      %sign3A_36 = arith.extui %sign3A_35 : i1 to i32
      %sign3A_37 = arith.subi %sign3A_33, %sign3A_36 : i32
      %sign3A_38 = arith.constant 0 : i32
      %sign3A_39 = arith.cmpi sgt, %jit3A, %sign3A_38 : i32
      %sign3A_40 = arith.extui %sign3A_39 : i1 to i32
      %sign3A_41 = arith.constant 0 : i32
      %sign3A_42 = arith.cmpi slt, %jit3A, %sign3A_41 : i32
      %sign3A_43 = arith.extui %sign3A_42 : i1 to i32
      %sign3A_44 = arith.subi %sign3A_40, %sign3A_43 : i32
      %ne3A = arith.cmpi ne, %sign3A_37, %sign3A_44 : i32
      %rem3A = arith.remsi %sub3A, %jit3A : i32
      %ne3A_45 = arith.constant 0 : i32
      %ne3A_46 = arith.cmpi ne, %rem3A, %ne3A_45 : i32
      %and3A = arith.andi %ne3A, %ne3A_46 : i1
      %sub3A_47 = arith.constant 1 : i32
      %sub3A_48 = arith.subi %div3A, %sub3A_47 : i32
      %select_n3A = arith.select %and3A, %sub3A_48, %div3A : i32
      %mul3A_49 = arith.constant 8 : i32
      %mul3A_50 = arith.muli %select_n3A, %mul3A_49 : i32
      %multiple_of3A = tpu.assume_multiple %mul3A_50, 8 : i32
      %jit3A_51 = arith.constant 128 : i32
      %div3A_52 = arith.divsi %sub3A_31, %jit3A_51 : i32
      %sign3A_53 = arith.constant 0 : i32
      %sign3A_54 = arith.cmpi sgt, %sub3A_31, %sign3A_53 : i32
      %sign3A_55 = arith.extui %sign3A_54 : i1 to i32
      %sign3A_56 = arith.constant 0 : i32
      %sign3A_57 = arith.cmpi slt, %sub3A_31, %sign3A_56 : i32
      %sign3A_58 = arith.extui %sign3A_57 : i1 to i32
      %sign3A_59 = arith.subi %sign3A_55, %sign3A_58 : i32
      %sign3A_60 = arith.constant 0 : i32
      %sign3A_61 = arith.cmpi sgt, %jit3A_51, %sign3A_60 : i32
      %sign3A_62 = arith.extui %sign3A_61 : i1 to i32
      %sign3A_63 = arith.constant 0 : i32
      %sign3A_64 = arith.cmpi slt, %jit3A_51, %sign3A_63 : i32
      %sign3A_65 = arith.extui %sign3A_64 : i1 to i32
      %sign3A_66 = arith.subi %sign3A_62, %sign3A_65 : i32
      %ne3A_67 = arith.cmpi ne, %sign3A_59, %sign3A_66 : i32
      %rem3A_68 = arith.remsi %sub3A_31, %jit3A_51 : i32
      %ne3A_69 = arith.constant 0 : i32
      %ne3A_70 = arith.cmpi ne, %rem3A_68, %ne3A_69 : i32
      %and3A_71 = arith.andi %ne3A_67, %ne3A_70 : i1
      %sub3A_72 = arith.constant 1 : i32
      %sub3A_73 = arith.subi %div3A_52, %sub3A_72 : i32
      %select_n3A_74 = arith.select %and3A_71, %sub3A_73, %div3A_52 : i32
      %mul3A_75 = arith.constant 128 : i32
      %mul3A_76 = arith.muli %select_n3A_74, %mul3A_75 : i32
      %multiple_of3A_77 = tpu.assume_multiple %mul3A_76, 128 : i32
      %iota3A = tpu.iota {dimensions = array<i32: 0>} : vector<8x128xi32>
      %iota3A_78 = tpu.iota {dimensions = array<i32: 1>} : vector<8x128xi32>
      %sub3A_79 = arith.subi %sub3A, %multiple_of3A : i32
      %eq3A = vector.broadcast %sub3A_79 : i32 to vector<8x128xi32>
      %eq3A_80 = arith.cmpi eq, %iota3A, %eq3A : vector<8x128xi32>
      %sub3A_81 = arith.subi %sub3A_31, %multiple_of3A_77 : i32
      %eq3A_82 = vector.broadcast %sub3A_81 : i32 to vector<8x128xi32>
      %eq3A_83 = arith.cmpi eq, %iota3A_78, %eq3A_82 : vector<8x128xi32>
      %and3A_84 = arith.andi %eq3A_80, %eq3A_83 : vector<8x128xi1>
      %get3A_85 = arith.index_cast %multiple_of3A : i32 to index
      %get3A_86 = arith.index_cast %multiple_of3A_77 : i32 to index
      %get3A_87 = vector.load %arg7[%get3A_85, %get3A_86] : memref<1024x2048xf32, #tpu.memory_space<vmem>>, vector<8x128xf32>
      %get3A_88 = arith.index_cast %while3A_22 : i32 to index
      %get3A_89 = memref.load %arg5[%get3A_88] : memref<1024xf32, #tpu.memory_space<smem>>
      %broadcast_in_dim3A = vector.broadcast %get3A_89 : f32 to vector<8x128xf32>
      %select_n3A_90 = arith.select %and3A_84, %broadcast_in_dim3A, %get3A_87 : vector<8x128xi1>, vector<8x128xf32>
      %swap3A_91 = arith.index_cast %multiple_of3A : i32 to index
      %swap3A_92 = arith.index_cast %multiple_of3A_77 : i32 to index
      %swap3A_93 = vector.load %arg7[%swap3A_91, %swap3A_92] : memref<1024x2048xf32, #tpu.memory_space<vmem>>, vector<8x128xf32>
      tpu.vector_store %arg7[%swap3A_91, %swap3A_92], %select_n3A_90 {strides = array<i32>} : memref<1024x2048xf32, #tpu.memory_space<vmem>>, vector<8x128xf32>,
    }
    %while3A_21 = arith.constant 1 : i32
    scf.for %while3A_22 = %while3A_19 to %while3A_15 step %while3A_21  : i32 {
      %get3A_23 = arith.index_cast %while3A_22 : i32 to index
      %get3A_24 = memref.load %arg3[%get3A_23] : memref<1024xi32, #tpu.memory_space<smem>>
      %mul3A_25 = arith.constant 1024 : i32
      %mul3A_26 = arith.muli %arg0, %mul3A_25 : i32
      %sub3A = arith.subi %get3A_24, %mul3A_26 : i32
      %get3A_27 = arith.index_cast %while3A_22 : i32 to index
      %get3A_28 = memref.load %arg4[%get3A_27] : memref<1024xi32, #tpu.memory_space<smem>>
      %mul3A_29 = arith.constant 2048 : i32
      %mul3A_30 = arith.muli %arg1, %mul3A_29 : i32
      %sub3A_31 = arith.subi %get3A_28, %mul3A_30 : i32
      %jit3A = arith.constant 8 : i32
      %div3A = arith.divsi %sub3A, %jit3A : i32
      %sign3A = arith.constant 0 : i32
      %sign3A_32 = arith.cmpi sgt, %sub3A, %sign3A : i32
      %sign3A_33 = arith.extui %sign3A_32 : i1 to i32
      %sign3A_34 = arith.constant 0 : i32
      %sign3A_35 = arith.cmpi slt, %sub3A, %sign3A_34 : i32
      %sign3A_36 = arith.extui %sign3A_35 : i1 to i32
      %sign3A_37 = arith.subi %sign3A_33, %sign3A_36 : i32
      %sign3A_38 = arith.constant 0 : i32
      %sign3A_39 = arith.cmpi sgt, %jit3A, %sign3A_38 : i32
      %sign3A_40 = arith.extui %sign3A_39 : i1 to i32
      %sign3A_41 = arith.constant 0 : i32
      %sign3A_42 = arith.cmpi slt, %jit3A, %sign3A_41 : i32
      %sign3A_43 = arith.extui %sign3A_42 : i1 to i32
      %sign3A_44 = arith.subi %sign3A_40, %sign3A_43 : i32
      %ne3A = arith.cmpi ne, %sign3A_37, %sign3A_44 : i32
      %rem3A = arith.remsi %sub3A, %jit3A : i32
      %ne3A_45 = arith.constant 0 : i32
      %ne3A_46 = arith.cmpi ne, %rem3A, %ne3A_45 : i32
      %and3A = arith.andi %ne3A, %ne3A_46 : i1
      %sub3A_47 = arith.constant 1 : i32
      %sub3A_48 = arith.subi %div3A, %sub3A_47 : i32
      %select_n3A = arith.select %and3A, %sub3A_48, %div3A : i32
      %mul3A_49 = arith.constant 8 : i32
      %mul3A_50 = arith.muli %select_n3A, %mul3A_49 : i32
      %multiple_of3A = tpu.assume_multiple %mul3A_50, 8 : i32
      %jit3A_51 = arith.constant 128 : i32
      %div3A_52 = arith.divsi %sub3A_31, %jit3A_51 : i32
      %sign3A_53 = arith.constant 0 : i32
      %sign3A_54 = arith.cmpi sgt, %sub3A_31, %sign3A_53 : i32
      %sign3A_55 = arith.extui %sign3A_54 : i1 to i32
      %sign3A_56 = arith.constant 0 : i32
      %sign3A_57 = arith.cmpi slt, %sub3A_31, %sign3A_56 : i32
      %sign3A_58 = arith.extui %sign3A_57 : i1 to i32
      %sign3A_59 = arith.subi %sign3A_55, %sign3A_58 : i32
      %sign3A_60 = arith.constant 0 : i32
      %sign3A_61 = arith.cmpi sgt, %jit3A_51, %sign3A_60 : i32
      %sign3A_62 = arith.extui %sign3A_61 : i1 to i32
      %sign3A_63 = arith.constant 0 : i32
      %sign3A_64 = arith.cmpi slt, %jit3A_51, %sign3A_63 : i32
      %sign3A_65 = arith.extui %sign3A_64 : i1 to i32
      %sign3A_66 = arith.subi %sign3A_62, %sign3A_65 : i32
      %ne3A_67 = arith.cmpi ne, %sign3A_59, %sign3A_66 : i32
      %rem3A_68 = arith.remsi %sub3A_31, %jit3A_51 : i32
      %ne3A_69 = arith.constant 0 : i32
      %ne3A_70 = arith.cmpi ne, %rem3A_68, %ne3A_69 : i32
      %and3A_71 = arith.andi %ne3A_67, %ne3A_70 : i1
      %sub3A_72 = arith.constant 1 : i32
      %sub3A_73 = arith.subi %div3A_52, %sub3A_72 : i32
      %select_n3A_74 = arith.select %and3A_71, %sub3A_73, %div3A_52 : i32
      %mul3A_75 = arith.constant 128 : i32
      %mul3A_76 = arith.muli %select_n3A_74, %mul3A_75 : i32
      %multiple_of3A_77 = tpu.assume_multiple %mul3A_76, 128 : i32
      %iota3A = tpu.iota {dimensions = array<i32: 0>} : vector<8x128xi32>
      %iota3A_78 = tpu.iota {dimensions = array<i32: 1>} : vector<8x128xi32>
      %sub3A_79 = arith.subi %sub3A, %multiple_of3A : i32
      %eq3A = vector.broadcast %sub3A_79 : i32 to vector<8x128xi32>
      %eq3A_80 = arith.cmpi eq, %iota3A, %eq3A : vector<8x128xi32>
      %sub3A_81 = arith.subi %sub3A_31, %multiple_of3A_77 : i32
      %eq3A_82 = vector.broadcast %sub3A_81 : i32 to vector<8x128xi32>
      %eq3A_83 = arith.cmpi eq, %iota3A_78, %eq3A_82 : vector<8x128xi32>
      %and3A_84 = arith.andi %eq3A_80, %eq3A_83 : vector<8x128xi1>
      %get3A_85 = arith.index_cast %multiple_of3A : i32 to index
      %get3A_86 = arith.index_cast %multiple_of3A_77 : i32 to index
      %get3A_87 = vector.load %arg7[%get3A_85, %get3A_86] : memref<1024x2048xf32, #tpu.memory_space<vmem>>, vector<8x128xf32>
      %get3A_88 = arith.index_cast %while3A_22 : i32 to index
      %get3A_89 = memref.load %arg5[%get3A_88] : memref<1024xf32, #tpu.memory_space<smem>>
      %broadcast_in_dim3A = vector.broadcast %get3A_89 : f32 to vector<8x128xf32>
      %select_n3A_90 = arith.select %and3A_84, %broadcast_in_dim3A, %get3A_87 : vector<8x128xi1>, vector<8x128xf32>
      %swap3A_91 = arith.index_cast %multiple_of3A : i32 to index
      %swap3A_92 = arith.index_cast %multiple_of3A_77 : i32 to index
      %swap3A_93 = vector.load %arg7[%swap3A_91, %swap3A_92] : memref<1024x2048xf32, #tpu.memory_space<vmem>>, vector<8x128xf32>
      tpu.vector_store %arg7[%swap3A_91, %swap3A_92], %select_n3A_90 {strides = array<i32>} : memref<1024x2048xf32, #tpu.memory_space<vmem>>, vector<8x128xf32>,
    }
    return
  }
  func.func @transform_0(%arg0: i32, %arg1: i32) -> i32 {
    %c0_i32 = arith.constant 0 : i32
    %c0_i32_0 = arith.constant 0 : i32
    return %c0_i32 : i32
  }
  func.func @transform_1(%arg0: i32, %arg1: i32) -> i32 {
    %c0_i32 = arith.constant 0 : i32
    %c0_i32_0 = arith.constant 0 : i32
    return %c0_i32 : i32
  }
  func.func @transform_2(%arg0: i32, %arg1: i32) -> i32 {
    %c0_i32 = arith.constant 0 : i32
    %c0_i32_0 = arith.constant 0 : i32
    return %c0_i32 : i32
  }
  func.func @transform_3(%arg0: i32, %arg1: i32) -> i32 {
    %c0_i32 = arith.constant 0 : i32
    %c0_i32_0 = arith.constant 0 : i32
    return %c0_i32 : i32
  }
  func.func @transform_4(%arg0: i32, %arg1: i32) -> (i32, i32) {
    %c0_i32 = arith.constant 0 : i32
    return %arg0, %arg1 : i32, i32
  }
  func.func @transform_5(%arg0: i32, %arg1: i32) -> (i32, i32) {
    %c0_i32 = arith.constant 0 : i32
    return %arg0, %arg1 : i32, i32
  }
}

</mosaic_0001>

<sc_bundles>
// kernel: kernel.6.cloned.1.call-start
scs
__scs_entry_jumppad:
0x0: {  	(pc) =	sbr.rel $0x88, $3  }
0x1: {  	(tag) =	ssettag $0x0;
	lr =	simm.s32 $0x1  }
0x2: {  	[smem:$0x3F9F] =	sst lr;
	_ =	strace $0xD0000000  }
0x3: {  	_ = 	snop  }
0x4: {  	_ = 	snop  }
0x5: {  	_ = 	snop  }
0x6: {  	_ = 	snop  }
0x7: {  	_ = 	snop  }
__scs_overlays_trampoline_lowered:
0x8: {  	[smem:$0x3FAE] =	sst s0  }
0x9: {  	[smem:$0x3FAF] =	sst s1  }
0xa: {  	[smem:$0x3FB0] =	sst s2  }
0xb: {  	[smem:$0x3FB1] =	sst s3  }
0xc: {  	[smem:$0x3FB2] =	sst s4  }
0xd: {  	[smem:$0x3FB3] =	sst s5  }
0xe: {  	[smem:$0x3FB4] =	sst s6  }
0xf: {  	[smem:$0x3FB5] =	sst s7  }
0x10: {  	[smem:$0x3FB6] =	sst s8  }
0x11: {  	[smem:$0x3FB7] =	sst s9;
	s0 =	simm.s32 @!p0 $0x0  }
0x12: {  	s1 =	sld [smem:$0x3F9D];
	s0 =	simm.s32 @p0 $0x1  }
0x13: {  	[smem:$0x3FB8] =	sst s0;
	s0 =	simm.s32 @!p1 $0x0  }
0x14: {  	s2 =	sld [smem:$0x3F9C];
	s0 =	simm.s32 @p1 $0x1  }
0x15: {  	[smem:$0x3FB9] =	sst s0;
	s0 =	simm.s32 @!p2 $0x0  }
0x16: {  	s3 =	sld [smem:$0x3FDB];
	s0 =	simm.s32 @p2 $0x1  }
0x17: {  	s4 =	simm.s32 $0x1BF5;
	[smem:$0x3FBB] =	sst s0  }
0x18: {  	s0 =	sld [smem:$0x3F9E];
	_ =	swait.ge [sflag:s4], $0x0  }
0x19: {  	s7 =	sld [smem:$0x3F9F]  }
0x1a: {  	s8 =	sadd.s32 $0xFFFFE003, lr  }
0x1b: {  	s9 =	sadd.s32 $0xFFFFFEF7, lr;
	s5 =	simm.s32 $0xFFFFFFFF;
	p2 =	slt.u32 s8, $0xFFFFF086  }
0x1c: {  	p1 =	slt.u32 s9, $0xF7A;
	s5 =	simm.s32 @!p2 $0x0  }
0x1d: {  	s5 =	simm.s32 @p1 $0x1;
	p0 =	seq.s32 s7, s2  }
0x1e: {  	s7 =	smul.u32 @!p0 $0xF7A, s2;
	p2 =	seq.s32 @!p0 s5, $0x0  }
0x1f: {  	s9 =	smul.u32 $0xF7A, s1;
	s8 =	simm.s32 @!p0 $0x1BF5;
	p2 =	por !p2, p0  }
0x20: {  	[sflag:s8] =	ssyncset.s32 @!p0 $0xFFFFF086;
	s6 =	sadd.s32 @!p0 s3, s7;
	s7 =	simm.s32 @!p0 $0x108  }
0x21: {  	s3 =	sadd.s32 s3, s9;
	s6 =	sadd.s32 @!p0 $0x88, s6;
	s7 =	simm.s32 @p2 $0x1082  }
0x22: {  	[simem:s7], [sflag:s8] =	dma.local @!p0 [hbm:s6], $0xF7A  }
0x23: {  	s9 =	sor.u32 $0xD0000000, s2;
	s6 =	simm.s32 $0x108;
	_ =	swait.ge @!p0 [sflag:s8], $0x0  }
0x24: {  	s3 =	sadd.s32 $0x88, s3;
	s6 =	simm.s32 @!p1 $0x1082;
	[sflag:s4] =	ssyncset.s32 $0xFFFFF086  }
0x25: {  	[simem:s6], [sflag:s4] =	dma.local [hbm:s3], $0xF7A  }
0x26: {  	[smem:$0x3F9F] =	sst s1;
	(tag) =	ssettag s2;
	_ =	strace s9  }
0x27: {  	s1 =	sld [smem:$0x3FAF]  }
0x28: {  	s2 =	sld [smem:$0x3FB0]  }
0x29: {  	s4 =	sld [smem:$0x3FB2]  }
0x2a: {  	p0 =	seq.s32 s5, $0x0;
	s5 =	sld [smem:$0x3FB3]  }
0x2b: {  	s6 =	sld [smem:$0x3FB4]  }
0x2c: {  	s7 =	sld [smem:$0x3FB5]  }
0x2d: {  	s3 =	simm.s32 $0x108;
	s8 =	sld [smem:$0x3FB6]  }
0x2e: {  	s3 =	simm.s32 @!p0 $0x1082;
	s9 =	sld [smem:$0x3FB7]  }
0x2f: {  	lr =	sadd.s32 s0, s3;
	s0 =	sld [smem:$0x3FAE]  }
0x30: {  	s3 =	sld [smem:$0x3FB1]  }
0x31: {  	[smem:$0x3FBA] =	sst s10  }
0x32: {  	s10 =	sld [smem:$0x3FB8];
	_ =	sdelay $0x3  }
0x33: {  	p0 =	seq.s32 s10, $0x1;
	s10 =	sld [smem:$0x3FBA];
	_ =	sdelay $0x3  }
0x34: {  	[smem:$0x3FBA] =	sst s10  }
0x35: {  	s10 =	sld [smem:$0x3FB9];
	_ =	sdelay $0x3  }
0x36: {  	p1 =	seq.s32 s10, $0x1;
	s10 =	sld [smem:$0x3FBA];
	_ =	sdelay $0x3  }
0x37: {  	[smem:$0x3FBA] =	sst s10  }
0x38: {  	s10 =	sld [smem:$0x3FBB]  }
0x39: {  	_ = 	snop;
	(pc) =	sbr.ind lr, $3  }
0x3a: {  	_ = 	snop  }
0x3b: {  	_ = 	snop  }
0x3c: {  	p2 =	seq.s32 s10, $0x1;
	s10 =	sld [smem:$0x3FBA]  }
0x3d: {  	_ =	shalt  }
0x3e: {  	_ =	shalt  }
0x3f: {  	_ =	shalt  }
0x40: {  	_ =	shalt  }
0x41: {  	_ =	shalt  }
0x42: {  	_ =	shalt  }
0x43: {  	_ =	shalt  }
0x44: {  	_ =	shalt  }
0x45: {  	_ =	shalt  }
0x46: {  	_ =	shalt  }
0x47: {  	_ =	shalt  }
0x48: {  	_ =	shalt  }
0x49: {  	_ =	shalt  }
0x4a: {  	_ =	shalt  }
0x4b: {  	_ =	shalt  }
0x4c: {  	_ =	shalt  }
0x4d: {  	_ =	shalt  }
0x4e: {  	_ =	shalt  }
0x4f: {  	_ =	shalt  }
0x50: {  	_ =	shalt  }
0x51: {  	_ =	shalt  }
0x52: {  	_ =	shalt  }
0x53: {  	_ =	shalt  }
0x54: {  	_ =	shalt  }
0x55: {  	_ =	shalt  }
0x56: {  	_ =	shalt  }
0x57: {  	_ =	shalt  }
0x58: {  	_ =	shalt  }
0x59: {  	_ =	shalt  }
0x5a: {  	_ =	shalt  }
0x5b: {  	_ =	shalt  }
0x5c: {  	_ =	shalt  }
0x5d: {  	_ =	shalt  }
0x5e: {  	_ =	shalt  }
0x5f: {  	_ =	shalt  }
0x60: {  	_ =	shalt  }
0x61: {  	_ =	shalt  }
0x62: {  	_ =	shalt  }
0x63: {  	_ =	shalt  }
0x64: {  	_ =	shalt  }
0x65: {  	_ =	shalt  }
0x66: {  	_ =	shalt  }
0x67: {  	_ =	shalt  }
0x68: {  	_ =	shalt  }
0x69: {  	_ =	shalt  }
0x6a: {  	_ =	shalt  }
0x6b: {  	_ =	shalt  }
0x6c: {  	_ =	shalt  }
0x6d: {  	_ =	shalt  }
0x6e: {  	_ =	shalt  }
0x6f: {  	_ =	shalt  }
0x70: {  	_ =	shalt  }
0x71: {  	_ =	shalt  }
0x72: {  	_ =	shalt  }
0x73: {  	_ =	shalt  }
0x74: {  	_ =	shalt  }
0x75: {  	_ =	shalt  }
0x76: {  	_ =	shalt  }
0x77: {  	_ =	shalt  }
0x78: {  	_ =	shalt  }
0x79: {  	_ =	shalt  }
0x7a: {  	_ =	shalt  }
0x7b: {  	_ =	shalt  }
0x7c: {  	_ =	shalt  }
0x7d: {  	_ =	shalt  }
0x7e: {  	_ =	shalt  }
0x7f: {  	_ =	shalt  }
0x80: {  	_ =	shalt  }
0x81: {  	_ =	shalt  }
0x82: {  	_ =	shalt  }
0x83: {  	_ =	shalt  }
0x84: {  	_ =	shalt  }
0x85: {  	_ =	shalt  }
0x86: {  	_ =	shalt  }
0x87: {  	_ =	shalt  }
.Lfunc_end0:
.L_simem_size_0:
called_computation_lowered:
.L_overlay_start_0:
0x88: {  	s2 =	sld [smem:$0x3FD9]  }
0x89: {  	s3 =	sld [smem:$0x3FFE];
	_ =	sdelay $0x1  }
0x8a: {  	s1 =	srdreg.scid  }
0x8b: {  	s0 =	sand.u32 $0x1, s1  }
0x8c: {  	s17 =	sshll.u32 s0, $0xA;
	s2 =	sadd.s32 s3, s2  }
0x8d: {  	s2 =	sadd.s32 s2, s17  }
0x8e: {  	[smem:$0x3FC6] =	sst s2  }
0x8f: {  	_ = 	snop  }
0x90: {  	s2 =	sld [smem:$0x3FD0];
	(tm) =	ssettm $0x1  }
0x91: {  	s18 =	sld [smem:$0x3FFB];
	_ =	sdelay $0x3  }
0x92: {  	_ =	strace s18  }
0x93: {  	s3 =	sld [smem:$0x3FFC];
	_ =	sdelay $0x3  }
0x94: {  	_ =	strace s3  }
0x95: {  	s3 =	sld [smem:$0x3FFD];
	_ =	sdelay $0x3  }
0x96: {  	_ =	strace s3  }
0x97: {  	_ =	strace $0x8FFFFFFF  }
0x98: {  	s19 =	sld [smem:$0x3FDB];
	_ =	sdelay $0x1  }
0x99: {  	s4 =	simm.s32 $_scs_section_size  }
0x9a: {  	s5 =	simm.s32 $_size__tile_overlayer_lowered;
	s6 =	simm.s32 $_tile_overlayer_lowered  }
0x9b: {  	s22 =	simm.s32 $0x1BFF;
	s21 =	sshll.u32 s6, $0x1;
	s3 =	sadd.s32 s4, s19  }
0x9c: {  	s7 =	simm.s32 $0x0;
	s20 =	sshll.u32 s5, $0x1;
	s5 =	sadd.s32 s21, s3  }
0x9d: {  	[timem:s7], [sflag:s22] =	dma.local [hbm:s5], s20  }
0x9e: {  	_ =	swait.ge [sflag:s22], s20  }
0x9f: {  	s4 =	ssub.s32 $0x0, s20;
	[sflag:s22] =	ssyncset.done $0x0  }
0xa0: {  	[sflag:s22] =	ssyncadd.s32 s4;
	_ =	sdelay $0x1  }
0xa1: {  	s23 =	simm.s32 $0x1B8B  }
0xa2: {  	_ =	swait.ge [sflag:s23], $0x1  }
0xa3: {  	[sflag:s23] =	ssyncset.done $0x0  }
0xa4: {  	s25 =	simm.s32 $0x1B8E;
	s24 =	sld [smem:$0x3FFE];
	[sflag:s23] =	ssyncadd.s32 $0xFFFFFFFF  }
0xa5: {  	s26 =	simm.s32 $execute0_lowered;
	[smem:$0x3FD2] =	sst s25  }
0xa6: {  	s5 =	sshll.u32 s26, $0x1;
	_ =	strace $0x80000046;
	[dreg:$0x1] =	wrdreg $0xFFFFFFFF  }
0xa7: {  	s28 =	simm.s32 $_size_execute0_lowered;
	s3 =	sadd.s32 s3, s5;
	[dreg:$0x0] =	wrdreg $0x0  }
0xa8: {  	s5 =	sshll.u32 s28, $0x1;
	[dreg:$0x2] =	wrdreg s3  }
0xa9: {  	[dreg:$0x3] =	wrdreg s5  }
0xaa: {  	[dreg:$0x4] =	wrdreg $0xC0  }
0xab: {  	_ =	task [dreg:s7], $0x5FFFF  }
0xac: {  	[dreg:$0x1] =	wrdreg $0xFFFFFFFF  }
0xad: {  	[dreg:$0x0] =	wrdreg $0x60  }
0xae: {  	[dreg:$0x2] =	wrdreg s2  }
0xaf: {  	[dreg:$0x3] =	wrdreg s24  }
0xb0: {  	[dreg:$0x4] =	wrdreg $0x9  }
0xb1: {  	_ =	task.clear_ibuf [dreg:s7], $0x5FFFF;
	_ =	strace $0x90000046  }
0xb2: {  	s29 =	simm.s32 $0x9;
	_ =	strace $0x80000048  }
0xb3: {  	_ =	swait.ge [sflag:s29], $0x1  }
0xb4: {  	[sflag:s29] =	ssyncadd.s32 $0xFFFFFFFF  }
0xb5: {  	_ =	strace $0x90000048  }
0xb6: {  	_ =	sfence  }
0xb7: {  	s30 =	sld [smem:$0x0];
	_ =	sdelay $0x2  }
0xb8: {  	s31 =	sshll.u32 s1, $0xD;
	s1 =	sshrl.u32 s1, $0x2  }
0xb9: {  	s3 =	sand.u32 $0x4000, s31;
	s1 =	sadd.s32 s1, s30  }
0xba: {  	s0 =	sor.u32 s3, s0;
	s1 =	sshll.u32 s1, $0x11  }
0xbb: {  	s0 =	sor.u32 s1, s0  }
0xbc: {  	s0 =	sadd.s32 $0x8F2B, s0  }
0xbd: {  	[sflag:s0] =	ssyncadd.remote.s32 $0x1  }
0xbe: {  	_ =	sfence.sel $0xFFFF  }
0xbf: {  	[dreg:$0x0] =	wrdreg $0xFFFFFFFF;
	(pc) =	sbr.abs _section_cstart, $3  }
0xc0: {  	[dreg:$0x1] =	wrdreg $0xFFFFFFFF  }
0xc1: {  	_ =	task.clear_ibuf [dreg:s7], $0x2FFFF;
	_ =	strace $0x9FFFFFFF  }
0xc2: {  	(tm) =	ssettm $0x7FFFFFFF  }
0xc3: {  	_ =	shalt  }
tec
execute0_lowered:
.L_overlay_start_1:
0x0: {  	(tag) =	ssettag $0x1  }
0x1: {  	s3 =	srdreg.scid  }
0x2: {  	s2 =	rddreg [dreg:$0x0];
	s1 =	stileid.u32;
	s11 =	sand.u32 $0x1, s3  }
0x3: {  	s4 =	rddreg [dreg:$0x1];
	s5 =	sshll.u32 s1, $0x3;
	s6 =	sshll.u32 s11, $0x2  }
0x4: {  	s0 =	rddreg [dreg:$0x2];
	s3 =	simm.s32 $0x0;
	s5 =	sor.u32 s6, s5  }
0x5: {  	s7 =	simm.s32 $0x80;
	[smem:$0x7FF] =	sst s3;
	s5 =	sadd.s32 s4, s5  }
0x6: {  	_ =	strace $0x80000047;
	s4 =	simm.s32 $0x2;
	s6 =	sadd.s32 $0x400, s5  }
0x7: {  	[tilespmem:s7], [sflag:$0x2] =	stream.linear.gather [hbm4b:s6+s3], $0x20, $0x38;
	[tilespmem:$0x200] =	vst v63  }
0x8: {  	_ =	swait.ge [sflag:s4], $0x20  }
0x9: {  	[sflag:s4] =	ssyncset.done $0x0  }
0xa: {  	s8 =	simm.s32 $0x100;
	[sflag:s4] =	ssyncadd.s32 $0xFFFFFFE0  }
0xb: {  	[tilespmem:s8], [sflag:$0x2] =	stream.linear.gather [hbm4b:s5+s3], $0x20, $0x38;
	[tilespmem:$0x200] =	vst v63  }
0xc: {  	_ =	swait.ge [sflag:s4], $0x20  }
0xd: {  	[sflag:s4] =	ssyncset.done $0x0  }
0xe: {  	s9 =	simm.s32 $0x20;
	s10 =	simm.s32 $0x1;
	[sflag:s4] =	ssyncadd.s32 $0xFFFFFFE0  }
0xf: {  	[tilespmem:s3], [sflag:$0x1] =	stream.indirect.gather [hbm4b:s2+s9], $0x1, s7, s9, $0xb8;
	[tilespmem:$0x200] =	vst v63  }
0x10: {  	_ =	swait.ge [sflag:s10], $0x20  }
0x11: {  	[sflag:s10] =	ssyncset.done $0x0  }
0x12: {  	[sflag:s10] =	ssyncadd.s32 $0xFFFFFFE0  }
0x13: {  	v0 =	vld [tilespmem:$0x0]  }
0x14: {  	v1 =	vld [tilespmem:$0x10]  }
0x15: {  	s11 =	ssub.s32 $0x2, s11;
	v2 =	vld [tilespmem:$0x100]  }
0x16: {  	s12 =	sshrl.u32 s11, $0x1;
	v3 =	vld [tilespmem:$0x110]  }
0x17: {  	s12 =	ssub.s32 s11, s12  }
0x18: {  	s13 =	smax.u32 s12, $0x1;
	v0 =	vmul.f32 $6.400000000e+01, v0  }
0x19: {  	p0 =	sne.s32 s13, $0x1;
	v1 =	vmul.f32 $6.400000000e+01, v1  }
.Ltmp0:
0x1a: {  	v0 =	vadd.f32 v2, v0;
	(pc) =	sbr.rel @!p0 .LBB2_2-.Ltmp0, $4  }
0x1b: {  	v1 =	vadd.f32 v3, v1  }
0x1c: {  	[tilespmem:$0x180] =	vst v0  }
0x1d: {  	s11 =	sadd.s32 $0xC38600, s5;
	s12 =	simm.s32 $0x180;
	s13 =	sadd.s32 $0xFFFFFFFF, s13;
	[tilespmem:$0x190] =	vst v1  }
0x1e: {  	[hbm4b:s11+s3] =	stream.linear.scatter [tilespmem:s12], [sflag:$0x2], $0x20, $0x38;
	[tilespmem:$0x200] =	vst v63  }
.LBB2_1:
0x1f: {  	p0 =	sne.s32 s13, $0x1;
	s13 =	sadd.s32 $0xFFFFFFFF, s13;
	_ =	swait.ge [sflag:s4], $0x20  }
0x20: {  	[sflag:s4] =	ssyncset.done $0x0  }
0x21: {  	[sflag:s4] =	ssyncadd.s32 $0xFFFFFFE0  }
0x22: {  	[tilespmem:s7], [sflag:$0x2] =	stream.linear.gather [hbm4b:s6+s3], $0x20, $0x38;
	[tilespmem:$0x200] =	vst v63  }
0x23: {  	_ =	swait.ge [sflag:s4], $0x20  }
0x24: {  	[sflag:s4] =	ssyncset.done $0x0  }
0x25: {  	[sflag:s4] =	ssyncadd.s32 $0xFFFFFFE0  }
0x26: {  	[tilespmem:s8], [sflag:$0x2] =	stream.linear.gather [hbm4b:s5+s3], $0x20, $0x38;
	[tilespmem:$0x200] =	vst v63  }
0x27: {  	_ =	swait.ge [sflag:s4], $0x20  }
0x28: {  	[sflag:s4] =	ssyncset.done $0x0  }
0x29: {  	[sflag:s4] =	ssyncadd.s32 $0xFFFFFFE0  }
0x2a: {  	[tilespmem:s3], [sflag:$0x1] =	stream.indirect.gather [hbm4b:s2+s9], $0x1, s7, s9, $0xb8;
	[tilespmem:$0x200] =	vst v63  }
0x2b: {  	_ =	swait.ge [sflag:s10], $0x20  }
0x2c: {  	[sflag:s10] =	ssyncset.done $0x0  }
0x2d: {  	[sflag:s10] =	ssyncadd.s32 $0xFFFFFFE0  }
0x2e: {  	v0 =	vld [tilespmem:$0x0]  }
0x2f: {  	v1 =	vld [tilespmem:$0x10]  }
0x30: {  	v2 =	vld [tilespmem:$0x100]  }
0x31: {  	v3 =	vld [tilespmem:$0x110];
	_ =	sdelay $0x1  }
0x32: {  	v0 =	vmul.f32 $6.400000000e+01, v0  }
0x33: {  	v1 =	vmul.f32 $6.400000000e+01, v1  }
.Ltmp1:
0x34: {  	v0 =	vadd.f32 v2, v0;
	(pc) =	sbr.rel @p0 .LBB2_1-.Ltmp1, $4  }
0x35: {  	v1 =	vadd.f32 v3, v1  }
0x36: {  	[tilespmem:$0x180] =	vst v0  }
0x37: {  	[tilespmem:$0x190] =	vst v1  }
0x38: {  	[hbm4b:s11+s3] =	stream.linear.scatter [tilespmem:s12], [sflag:$0x2], $0x20, $0x38;
	[tilespmem:$0x200] =	vst v63  }
.LBB2_2:
0x39: {  	_ =	swait.ge [sflag:s4], $0x20  }
0x3a: {  	[sflag:s4] =	ssyncset.done $0x0  }
0x3b: {  	[sflag:s4] =	ssyncadd.s32 $0xFFFFFFE0  }
0x3c: {  	_ =	sfence.sel $0x180000  }
0x3d: {  	[bflag:$0x0] =	sbarrier.arrive $0xFFFF  }
0x3e: {  	p0 =	sne.s32 s1, $0x0;
	_ =	strace $0x90000047  }
0x3f: {  	s0 =	sadd.s32 @!p0 $0x100000, s0;
	[bflag:$0x2] =	sbarrier.arrive $0xFFFF  }
0x40: {  	[sflag:s0] =	ssyncadd.tile.s32 @!p0 $0x1;
	_ =	shalt  }
.Lfunc_end2:
_tile_overlayer_lowered:
.L_overlay_start_2:
0x41: {  	(tag) =	ssettag $0x2  }
0x42: {  	s0 =	rddreg [dreg:$0x0];
	s2 =	stileid.u32  }
0x43: {  	s1 =	rddreg [dreg:$0x1];
	p0 =	sne.s32 s2, $0x0  }
0x44: {  	s3 =	rddreg [dreg:$0x2];
	[bflag:$0x3] =	sbarrier.arrive $0xFFFF;
	s2 =	simm.s32 @!p0 $0x1C02  }
0x45: {  	[timem:s3], [sflag:s2] =	dma.local @!p0 [hbm:s0], s1  }
0x46: {  	s0 =	simm.s32 @!p0 $0x2  }
0x47: {  	_ =	swait.ge @!p0 [sflag:s0], s1  }
0x48: {  	s1 =	ssub.s32 @!p0 $0x0, s1;
	[sflag:s0] =	ssyncset.done @!p0 $0x0  }
0x49: {  	[sflag:s0] =	ssyncadd.s32 @!p0 s1  }
0x4a: {  	[bflag:$0x3] =	sbarrier.arrive $0xFFFF  }
0x4b: {  	_ =	shalt  }

</sc_bundles>
